<compile_context>
chip_gen: v7x
topology: tpu7x:2x2x1
jax: 0.10.2.dev20260603
libtpu: 0.0.44.dev20260713+nightly
codegen_flags: <defaults>
</compile_context>

<pallas_src>
import functools
import math

import jax
import jax.numpy as jnp
from jax.experimental import pallas as pl
from jax.experimental.pallas import tpu as pltpu
from jax.experimental.pallas import tpu_sc as plsc

_N = 5000
_NP = 5120
_B = 1024
_NB = _NP // _B
_TOP = 100
_TOPP = 104
_SCORE_THR = 0.05
_IOU_THR = 0.5
_CW = 1333.0
_CH = 800.0
_CLIP = float(math.log(1000.0 / 16.0))


def _prep_kernel(r0, r1, r2, r3, p0, p1, p2, p3, s, cf,
                 x1o, y1o, x2o, y2o, ox1o, oy1o, ox2o, oy2o, area_o, valid_o):
    dx = r0[...] * 0.1
    dy = r1[...] * 0.1
    dw = jnp.minimum(r2[...] * 0.2, _CLIP)
    dh = jnp.minimum(r3[...] * 0.2, _CLIP)
    cx = p0[...] + dx * p2[...]
    cy = p1[...] + dy * p3[...]
    w = p2[...] * jnp.exp(dw)
    h = p3[...] * jnp.exp(dh)
    x1 = jnp.clip(cx - 0.5 * w, 0.0, _CW)
    y1 = jnp.clip(cy - 0.5 * h, 0.0, _CH)
    x2 = jnp.clip(cx + 0.5 * w, 0.0, _CW)
    y2 = jnp.clip(cy + 0.5 * h, 0.0, _CH)
    valid = ((x2 - x1) > 0.0) & ((y2 - y1) > 0.0) & (s[...] > _SCORE_THR)
    off = cf[...] * (_CW + 1.0)
    ox1 = jnp.where(valid, x1 + off, 2e9)
    oy1 = jnp.where(valid, y1 + off, 2e9)
    ox2 = jnp.where(valid, x2 + off, 2e9)
    oy2 = jnp.where(valid, y2 + off, 2e9)
    x1o[...] = x1
    y1o[...] = y1
    x2o[...] = x2
    y2o[...] = y2
    ox1o[...] = ox1
    oy1o[...] = oy1
    ox2o[...] = ox2
    oy2o[...] = oy2
    area_o[...] = (ox2 - ox1) * (oy2 - oy1)
    valid_o[...] = valid.astype(jnp.float32)


def _sup_kernel(ox1r, oy1r, ox2r, oy2r, ar, sr, ir,
                ox1c, oy1c, ox2c, oy2c, ac, sc_, ic,
                out_r, out_c, scr_r, scr_c):
    r = pl.program_id(0)
    c = pl.program_id(1)

    @pl.when((r == 0) & (c == 0))
    def _zero():
        scr_r[...] = jnp.zeros_like(scr_r)
        scr_c[...] = jnp.zeros_like(scr_c)

    @pl.when(c >= r)
    def _tile():
        ltx = jnp.maximum(ox1r[...], ox1c[...])
        lty = jnp.maximum(oy1r[...], oy1c[...])
        rbx = jnp.minimum(ox2r[...], ox2c[...])
        rby = jnp.minimum(oy2r[...], oy2c[...])
        ww = jnp.maximum(rbx - ltx, 0.0)
        hh = jnp.maximum(rby - lty, 0.0)
        inter = ww * hh
        union = ar[...] + ac[...] - inter
        iou = inter / (union + 1e-9)
        gt = iou > _IOU_THR
        eq_idx = ic[...] == ir[...]
        hcr = (sc_[...] > sr[...]) | ((sc_[...] == sr[...]) & (ic[...] < ir[...]))
        hrc = ~(hcr | eq_idx)
        acc_r = jnp.any(gt & hcr, axis=1, keepdims=True).astype(jnp.float32)
        acc_c = jnp.any(gt & hrc, axis=0, keepdims=True).astype(jnp.float32)
        scr_r[pl.ds(r, 1)] = jnp.maximum(scr_r[pl.ds(r, 1)],
                                         acc_r.reshape(1, _B, 1))
        scr_c[pl.ds(c, 1)] = jnp.maximum(scr_c[pl.ds(c, 1)],
                                         acc_c.reshape(1, 1, _B))

    @pl.when((r == _NB - 1) & (c == _NB - 1))
    def _emit():
        out_r[...] = scr_r[...]
        out_c[...] = scr_c[...]


def _sel_kernel(sc_, vc, sup_a, sup_b, ic, out_idx):
    valid = vc[...] > 0.5
    sup = (sup_a[...] + sup_b[...]) > 0.5
    s = sc_[...]
    idx = ic[...]
    real = idx < float(_N)
    c = jnp.where(valid & ~sup, s, jnp.where(valid, s - 2.0, -3.0))
    c = jnp.where(real, c, -4.0)

    def body(k, cval):
        m = jnp.max(cval)
        isel = jnp.min(jnp.where(cval == m, idx, float(_NP)))
        out_idx[pl.ds(k, 1), :] = isel.reshape(1, 1)
        return jnp.where(idx == isel, -1e9, cval)

    jax.lax.fori_loop(0, _TOP, body, c)
    out_idx[pl.ds(_TOP, _TOPP - _TOP), :] = jnp.zeros((_TOPP - _TOP, 1),
                                                      jnp.float32)


_SC_INFO = plsc.get_sparse_core_info()
_NW = _SC_INFO.num_cores * _SC_INFO.num_subcores
_GB = 256
_GD = 128
_BPW = _GB // _NW


def _make_sc_gather():
    mesh = plsc.VectorSubcoreMesh(core_axis_name="c", subcore_axis_name="s")

    @functools.partial(
        pl.kernel, mesh=mesh,
        out_type=jax.ShapeDtypeStruct((_GB, _GD), jnp.float32),
        scratch_types=[
            pltpu.VMEM((_BPW,), jnp.int32),
            pltpu.VMEM((_BPW, _GD), jnp.float32),
            pltpu.SemaphoreType.DMA,
        ],
    )
    def k(table_hbm, idx_hbm, out_hbm, idx_v, rows_v, sem):
        wid = jax.lax.axis_index("s") * _SC_INFO.num_cores + jax.lax.axis_index("c")
        base = wid * _BPW
        pltpu.sync_copy(idx_hbm.at[pl.ds(base, _BPW)], idx_v)
        pltpu.async_copy(table_hbm.at[idx_v], rows_v, sem).wait()
        pltpu.sync_copy(rows_v, out_hbm.at[pl.ds(base, _BPW)])

    return k


def kernel(reg, proposals, scores, classes):
    pad = _NP - _N
    regp = jnp.pad(reg, ((0, pad), (0, 0)))
    prp = jnp.pad(proposals, ((0, pad), (0, 0)))
    sp = jnp.pad(scores, (0, pad)).reshape(1, _NP)
    cfp = jnp.pad(classes.astype(jnp.float32), (0, pad)).reshape(1, _NP)
    iota = jnp.arange(_NP, dtype=jnp.float32).reshape(1, _NP)
    r0, r1, r2, r3 = (regp[:, i].reshape(1, _NP) for i in range(4))
    p0, p1, p2, p3 = (prp[:, i].reshape(1, _NP) for i in range(4))

    vec = jax.ShapeDtypeStruct((1, _NP), jnp.float32)
    x1, y1, x2, y2, ox1, oy1, ox2, oy2, area, validf = pl.pallas_call(
        _prep_kernel,
        out_shape=[vec] * 10,
    )(r0, r1, r2, r3, p0, p1, p2, p3, sp, cfp)

    col = lambda a: a.reshape(_NP, 1)
    row_spec = pl.BlockSpec((_B, 1), lambda r, c: (r, 0))
    col_spec = pl.BlockSpec((1, _B), lambda r, c: (0, jnp.maximum(c, r)))
    full_r = pl.BlockSpec((_NB, _B, 1), lambda r, c: (0, 0, 0))
    full_c = pl.BlockSpec((_NB, 1, _B), lambda r, c: (0, 0, 0))
    sup_r, sup_c = pl.pallas_call(
        _sup_kernel,
        grid=(_NB, _NB),
        in_specs=[row_spec] * 7 + [col_spec] * 7,
        out_specs=[full_r, full_c],
        out_shape=[jax.ShapeDtypeStruct((_NB, _B, 1), jnp.float32),
                   jax.ShapeDtypeStruct((_NB, 1, _B), jnp.float32)],
        scratch_shapes=[pltpu.VMEM((_NB, _B, 1), jnp.float32),
                        pltpu.VMEM((_NB, 1, _B), jnp.float32)],
    )(col(ox1), col(oy1), col(ox2), col(oy2), col(area), col(sp), col(iota),
      ox1, oy1, ox2, oy2, area, sp, iota)

    sel_idx = pl.pallas_call(
        _sel_kernel,
        out_shape=jax.ShapeDtypeStruct((_TOPP, 1), jnp.float32),
    )(sp, validf, sup_r.reshape(1, _NP), sup_c.reshape(1, _NP), iota)

    table = jnp.concatenate(
        [x1.reshape(_NP, 1), y1.reshape(_NP, 1), x2.reshape(_NP, 1),
         y2.reshape(_NP, 1), sp.reshape(_NP, 1), cfp.reshape(_NP, 1),
         jnp.zeros((_NP, _GD - 6), jnp.float32)], axis=1)
    idxp = jnp.pad(sel_idx[:_TOP, 0].astype(jnp.int32), (0, _GB - _TOP))
    g = _make_sc_gather()(table, idxp)

    sel_boxes = g[:_TOP, 0:4]
    sel_scores = g[:_TOP, 4]
    sel_classes = g[:_TOP, 5].astype(jnp.int32)
    return sel_boxes, sel_scores, sel_classes

# --- scband reference (transcript-rebuilt; emitter-appended) ---
"""Pipeline reference for scband-faster-rcnn-12154757447763 (READ-ONLY COPY).

The authoritative reference and input builder live on the scoring server;
editing this copy changes nothing except your own understanding.
"""

import jax, jax.numpy as jnp
import numpy as np

N = 5000
NUM_CLASSES = 80
SCORE_THR = 0.05
IOU_THR = 0.5
IMTOP = 100
CANVAS_H = 800.0
CANVAS_W = 1333.0
BBOX_XFORM_CLIP = float(np.log(1000.0 / 16.0))


def setup_inputs(seed: int = 0) -> dict:
    key = jax.random.key(seed)
    k1, k2, k3, k4 = jax.random.split(key, 4)
    reg = jax.random.normal(k1, (N, 4), dtype=jnp.float32)
    u = jax.random.uniform(k2, (N, 4), dtype=jnp.float32)
    cx = u[:, 0] * CANVAS_W
    cy = u[:, 1] * CANVAS_H
    w = 16.0 + u[:, 2] * 300.0
    h = 16.0 + u[:, 3] * 300.0
    proposals = jnp.stack([cx, cy, w, h], axis=1)  # cwh format, as in convert_to_cwh
    scores = jax.random.uniform(k3, (N,), dtype=jnp.float32)
    classes = jax.random.randint(k4, (N,), 0, NUM_CLASSES)
    return {"reg": reg, "proposals": proposals, "scores": scores, "classes": classes}


def decode_boxes(reg, priors):
    # decode_boxes with mults=(0.1, 0.2), clamp=True (RoI head settings)
    dx = reg[:, 0] * 0.1
    dy = reg[:, 1] * 0.1
    dw = jnp.minimum(reg[:, 2] * 0.2, BBOX_XFORM_CLIP)
    dh = jnp.minimum(reg[:, 3] * 0.2, BBOX_XFORM_CLIP)
    cx = priors[:, 0] + dx * priors[:, 2]
    cy = priors[:, 1] + dy * priors[:, 3]
    w = priors[:, 2] * jnp.exp(dw)
    h = priors[:, 3] * jnp.exp(dh)
    return jnp.stack([cx - 0.5 * w, cy - 0.5 * h, cx + 0.5 * w, cy + 0.5 * h], axis=1)


def clamp_to_canvas(boxes):
    x1 = jnp.clip(boxes[:, 0], 0.0, CANVAS_W)
    y1 = jnp.clip(boxes[:, 1], 0.0, CANVAS_H)
    x2 = jnp.clip(boxes[:, 2], 0.0, CANVAS_W)
    y2 = jnp.clip(boxes[:, 3], 0.0, CANVAS_H)
    return jnp.stack([x1, y1, x2, y2], axis=1)


def iou_matrix(b):
    lt = jnp.maximum(b[:, None, :2], b[None, :, :2])
    rb = jnp.minimum(b[:, None, 2:], b[None, :, 2:])
    wh = jnp.clip(rb - lt, 0.0)
    inter = wh[..., 0] * wh[..., 1]
    area = (b[:, 2] - b[:, 0]) * (b[:, 3] - b[:, 1])
    union = area[:, None] + area[None, :] - inter
    return inter / (union + 1e-9)


def reference(reg, proposals, scores, classes):
    # Final-stage FasterRCNN RoI post-processing: decode -> score filter ->
    # clamp -> remove_small -> class-aware (batched) NMS -> per-image top-k.
    boxes = decode_boxes(reg, proposals)
    boxes = clamp_to_canvas(boxes)
    w = boxes[:, 2] - boxes[:, 0]
    h = boxes[:, 3] - boxes[:, 1]
    valid = (w > 0.0) & (h > 0.0) & (scores > SCORE_THR)
    # batched_nms trick: offset boxes by class id so different classes never overlap
    off = classes.astype(jnp.float32) * (CANVAS_W + 1.0)
    ob = boxes + off[:, None]
    order = jnp.argsort(-jnp.where(valid, scores, -1.0))
    ob_s = ob[order]
    s_s = scores[order]
    v_s = valid[order]
    iou = iou_matrix(ob_s)
    lower = jnp.tril(jnp.ones((N, N), dtype=bool), k=-1)
    suppressed = jnp.any((iou > IOU_THR) & lower & v_s[None, :], axis=1)
    keep = v_s & (~suppressed)
    keep_scores = jnp.where(keep, s_s, -1.0)
    top_s, top_i = jax.lax.top_k(keep_scores, IMTOP)
    sel_boxes = boxes[order][top_i]
    sel_scores = s_s[top_i]
    sel_classes = classes[order][top_i]
    return sel_boxes, sel_scores, sel_classes

if __name__ == "__main__":
    import jax
    _d = setup_inputs()
    print(jax.jit(kernel)(*tuple(_d.values())))

</pallas_src>

<mosaic_0001>
#map = affine_map<(d0, d1) -> (0, 0)>
#map1 = affine_map<(d0, d1) -> (0)>
module attributes {stable_mosaic.version = 14 : i64} {
  func.func @k(%arg0: i32, %arg1: i32, %arg2: memref<5120x128xf32, #tpu.memory_space<hbm>>, %arg3: memref<256xi32, #tpu.memory_space<hbm>>, %arg4: memref<256x128xf32, #tpu.memory_space<hbm>>, %arg5: memref<8xi32, #tpu.memory_space<vmem>>, %arg6: memref<8x128xf32, #tpu.memory_space<vmem>>, %arg7: memref<!tpu.dma_semaphore, #tpu.memory_space<semaphore_mem>>) attributes {dimension_semantics = [#tpu.dimension_semantics<core_parallel>, #tpu.dimension_semantics<subcore_parallel>], iteration_bounds = array<i64: 2, 16>, scalar_prefetch = 0 : i64, scratch_operands = 3 : i64, tpu.core_type = #tpu.core_type<sc_vector_subcore>, window_params = [{transform_indices = #map}, {transform_indices = #map1}, {transform_indices = #map}]} {
    %mul3A = arith.constant 2 : i32
    %mul3A_0 = arith.muli %arg1, %mul3A : i32
    %add3A = arith.addi %mul3A_0, %arg0 : i32
    %mul3A_1 = arith.constant 8 : i32
    %mul3A_2 = arith.muli %add3A, %mul3A_1 : i32
    "tpu.region"() ({
      %run_scoped3A = tpu.sem_alloc : memref<!tpu.dma_semaphore, #tpu.memory_space<semaphore_mem>>
      %dma_start3A_7 = tpu.memref_slice %arg3[%mul3A_2] : memref<256xi32, #tpu.memory_space<hbm>> -> memref<8xi32, #tpu.memory_space<hbm>>
      %dma_start3A_8 = tpu.memref_slice %arg3[%mul3A_2] : memref<256xi32, #tpu.memory_space<hbm>> -> memref<8xi32, #tpu.memory_space<hbm>>
      tpu.enqueue_dma source(%dma_start3A_8 : memref<8xi32, #tpu.memory_space<hbm>>) target(%arg5 : memref<8xi32, #tpu.memory_space<vmem>>) target_semaphore(%run_scoped3A : memref<!tpu.dma_semaphore, #tpu.memory_space<semaphore_mem>>)
      %dma_wait3A_9 = tpu.memref_slice %arg3[%mul3A_2] : memref<256xi32, #tpu.memory_space<hbm>> -> memref<8xi32, #tpu.memory_space<hbm>>
      %dma_wait3A_10 = tpu.memref_slice %arg3[%mul3A_2] : memref<256xi32, #tpu.memory_space<hbm>> -> memref<8xi32, #tpu.memory_space<hbm>>
      tpu.wait_dma2 semaphore(%run_scoped3A : memref<!tpu.dma_semaphore, #tpu.memory_space<semaphore_mem>>) src(%dma_wait3A_10 : memref<8xi32, #tpu.memory_space<hbm>>) dst(%arg5 : memref<8xi32, #tpu.memory_space<vmem>>)
      tpu.yield
    }) : () -> ()
    %dma_start3A = arith.constant 0 : i32
    %dma_start3A_3 = arith.constant 0 : i32
    %dma_start3A_4 = tpu.memref_slice %arg2[%dma_start3A, %dma_start3A_3] : memref<5120x128xf32, #tpu.memory_space<hbm>> -> memref<5120x128xf32, #tpu.memory_space<hbm>>
    tpu.enqueue_indirect_dma source(%dma_start3A_4 : memref<5120x128xf32, #tpu.memory_space<hbm>>) target(%arg6 : memref<8x128xf32, #tpu.memory_space<vmem>>) offsets(%arg5 : memref<8xi32, #tpu.memory_space<vmem>>) semaphore(%arg7 : memref<!tpu.dma_semaphore, #tpu.memory_space<semaphore_mem>>)
    %dma_wait3A = arith.constant 0 : i32
    %dma_wait3A_5 = arith.constant 0 : i32
    %dma_wait3A_6 = tpu.memref_slice %arg2[%dma_wait3A, %dma_wait3A_5] : memref<5120x128xf32, #tpu.memory_space<hbm>> -> memref<5120x128xf32, #tpu.memory_space<hbm>>
    tpu.wait_indirect_dma semaphore(%arg7 : memref<!tpu.dma_semaphore, #tpu.memory_space<semaphore_mem>>) src(%dma_wait3A_6 : memref<5120x128xf32, #tpu.memory_space<hbm>>) dst(%arg6 : memref<8x128xf32, #tpu.memory_space<vmem>>)
    "tpu.region"() ({
      %run_scoped3A = tpu.sem_alloc : memref<!tpu.dma_semaphore, #tpu.memory_space<semaphore_mem>>
      %dma_start3A_7 = arith.constant 0 : i32
      %dma_start3A_8 = tpu.memref_slice %arg4[%mul3A_2, %dma_start3A_7] : memref<256x128xf32, #tpu.memory_space<hbm>> -> memref<8x128xf32, #tpu.memory_space<hbm>>
      %dma_start3A_9 = arith.constant 0 : i32
      %dma_start3A_10 = tpu.memref_slice %arg4[%mul3A_2, %dma_start3A_9] : memref<256x128xf32, #tpu.memory_space<hbm>> -> memref<8x128xf32, #tpu.memory_space<hbm>>
      tpu.enqueue_dma source(%arg6 : memref<8x128xf32, #tpu.memory_space<vmem>>) target(%dma_start3A_10 : memref<8x128xf32, #tpu.memory_space<hbm>>) target_semaphore(%run_scoped3A : memref<!tpu.dma_semaphore, #tpu.memory_space<semaphore_mem>>)
      %dma_wait3A_11 = arith.constant 0 : i32
      %dma_wait3A_12 = tpu.memref_slice %arg4[%mul3A_2, %dma_wait3A_11] : memref<256x128xf32, #tpu.memory_space<hbm>> -> memref<8x128xf32, #tpu.memory_space<hbm>>
      %dma_wait3A_13 = arith.constant 0 : i32
      %dma_wait3A_14 = tpu.memref_slice %arg4[%mul3A_2, %dma_wait3A_13] : memref<256x128xf32, #tpu.memory_space<hbm>> -> memref<8x128xf32, #tpu.memory_space<hbm>>
      tpu.wait_dma2 semaphore(%run_scoped3A : memref<!tpu.dma_semaphore, #tpu.memory_space<semaphore_mem>>) src(%arg6 : memref<8x128xf32, #tpu.memory_space<vmem>>) dst(%dma_wait3A_14 : memref<8x128xf32, #tpu.memory_space<hbm>>)
      tpu.yield
    }) : () -> ()
    return
  }
}

module attributes {stable_mosaic.version = 14 : i64} {
  func.func @_prep_kernel(%arg0: memref<1x5120xf32, #tpu.memory_space<vmem>>, %arg1: memref<1x5120xf32, #tpu.memory_space<vmem>>, %arg2: memref<1x5120xf32, #tpu.memory_space<vmem>>, %arg3: memref<1x5120xf32, #tpu.memory_space<vmem>>, %arg4: memref<1x5120xf32, #tpu.memory_space<vmem>>, %arg5: memref<1x5120xf32, #tpu.memory_space<vmem>>, %arg6: memref<1x5120xf32, #tpu.memory_space<vmem>>, %arg7: memref<1x5120xf32, #tpu.memory_space<vmem>>, %arg8: memref<1x5120xf32, #tpu.memory_space<vmem>>, %arg9: memref<1x5120xf32, #tpu.memory_space<vmem>>, %arg10: memref<1x5120xf32, #tpu.memory_space<vmem>>, %arg11: memref<1x5120xf32, #tpu.memory_space<vmem>>, %arg12: memref<1x5120xf32, #tpu.memory_space<vmem>>, %arg13: memref<1x5120xf32, #tpu.memory_space<vmem>>, %arg14: memref<1x5120xf32, #tpu.memory_space<vmem>>, %arg15: memref<1x5120xf32, #tpu.memory_space<vmem>>, %arg16: memref<1x5120xf32, #tpu.memory_space<vmem>>, %arg17: memref<1x5120xf32, #tpu.memory_space<vmem>>, %arg18: memref<1x5120xf32, #tpu.memory_space<vmem>>, %arg19: memref<1x5120xf32, #tpu.memory_space<vmem>>) attributes {dimension_semantics = [], scalar_prefetch = 0 : i64, scratch_operands = 0 : i64, tpu.core_type = #tpu.core_type<tc>} {
    %get3A = arith.constant 0 : index
    %get3A_0 = arith.constant 0 : index
    %get3A_1 = vector.load %arg0[%get3A, %get3A_0] : memref<1x5120xf32, #tpu.memory_space<vmem>>, vector<1x5120xf32>
    %mul3A = arith.constant 1.000000e-01 : f32
    %mul3A_2 = vector.broadcast %mul3A : f32 to vector<1x5120xf32>
    %mul3A_3 = arith.mulf %get3A_1, %mul3A_2 : vector<1x5120xf32>
    %get3A_4 = arith.constant 0 : index
    %get3A_5 = arith.constant 0 : index
    %get3A_6 = vector.load %arg1[%get3A_4, %get3A_5] : memref<1x5120xf32, #tpu.memory_space<vmem>>, vector<1x5120xf32>
    %mul3A_7 = arith.constant 1.000000e-01 : f32
    %mul3A_8 = vector.broadcast %mul3A_7 : f32 to vector<1x5120xf32>
    %mul3A_9 = arith.mulf %get3A_6, %mul3A_8 : vector<1x5120xf32>
    %get3A_10 = arith.constant 0 : index
    %get3A_11 = arith.constant 0 : index
    %get3A_12 = vector.load %arg2[%get3A_10, %get3A_11] : memref<1x5120xf32, #tpu.memory_space<vmem>>, vector<1x5120xf32>
    %mul3A_13 = arith.constant 2.000000e-01 : f32
    %mul3A_14 = vector.broadcast %mul3A_13 : f32 to vector<1x5120xf32>
    %mul3A_15 = arith.mulf %get3A_12, %mul3A_14 : vector<1x5120xf32>
    %min3A = arith.constant 4.13516665 : f32
    %min3A_16 = vector.broadcast %min3A : f32 to vector<1x5120xf32>
    %min3A_17 = arith.minimumf %mul3A_15, %min3A_16 : vector<1x5120xf32>
    %get3A_18 = arith.constant 0 : index
    %get3A_19 = arith.constant 0 : index
    %get3A_20 = vector.load %arg3[%get3A_18, %get3A_19] : memref<1x5120xf32, #tpu.memory_space<vmem>>, vector<1x5120xf32>
    %mul3A_21 = arith.constant 2.000000e-01 : f32
    %mul3A_22 = vector.broadcast %mul3A_21 : f32 to vector<1x5120xf32>
    %mul3A_23 = arith.mulf %get3A_20, %mul3A_22 : vector<1x5120xf32>
    %min3A_24 = arith.constant 4.13516665 : f32
    %min3A_25 = vector.broadcast %min3A_24 : f32 to vector<1x5120xf32>
    %min3A_26 = arith.minimumf %mul3A_23, %min3A_25 : vector<1x5120xf32>
    %get3A_27 = arith.constant 0 : index
    %get3A_28 = arith.constant 0 : index
    %get3A_29 = vector.load %arg4[%get3A_27, %get3A_28] : memref<1x5120xf32, #tpu.memory_space<vmem>>, vector<1x5120xf32>
    %get3A_30 = arith.constant 0 : index
    %get3A_31 = arith.constant 0 : index
    %get3A_32 = vector.load %arg6[%get3A_30, %get3A_31] : memref<1x5120xf32, #tpu.memory_space<vmem>>, vector<1x5120xf32>
    %mul3A_33 = arith.mulf %mul3A_3, %get3A_32 : vector<1x5120xf32>
    %add3A = arith.addf %get3A_29, %mul3A_33 : vector<1x5120xf32>
    %get3A_34 = arith.constant 0 : index
    %get3A_35 = arith.constant 0 : index
    %get3A_36 = vector.load %arg5[%get3A_34, %get3A_35] : memref<1x5120xf32, #tpu.memory_space<vmem>>, vector<1x5120xf32>
    %get3A_37 = arith.constant 0 : index
    %get3A_38 = arith.constant 0 : index
    %get3A_39 = vector.load %arg7[%get3A_37, %get3A_38] : memref<1x5120xf32, #tpu.memory_space<vmem>>, vector<1x5120xf32>
    %mul3A_40 = arith.mulf %mul3A_9, %get3A_39 : vector<1x5120xf32>
    %add3A_41 = arith.addf %get3A_36, %mul3A_40 : vector<1x5120xf32>
    %get3A_42 = arith.constant 0 : index
    %get3A_43 = arith.constant 0 : index
    %get3A_44 = vector.load %arg6[%get3A_42, %get3A_43] : memref<1x5120xf32, #tpu.memory_space<vmem>>, vector<1x5120xf32>
    %exp3A = math.exp %min3A_17 : vector<1x5120xf32>
    %mul3A_45 = arith.mulf %get3A_44, %exp3A : vector<1x5120xf32>
    %get3A_46 = arith.constant 0 : index
    %get3A_47 = arith.constant 0 : index
    %get3A_48 = vector.load %arg7[%get3A_46, %get3A_47] : memref<1x5120xf32, #tpu.memory_space<vmem>>, vector<1x5120xf32>
    %exp3A_49 = math.exp %min3A_26 : vector<1x5120xf32>
    %mul3A_50 = arith.mulf %get3A_48, %exp3A_49 : vector<1x5120xf32>
    %mul3A_51 = arith.constant 5.000000e-01 : f32
    %mul3A_52 = vector.broadcast %mul3A_51 : f32 to vector<1x5120xf32>
    %mul3A_53 = arith.mulf %mul3A_52, %mul3A_45 : vector<1x5120xf32>
    %sub3A = arith.subf %add3A, %mul3A_53 : vector<1x5120xf32>
    %jit3A = arith.constant 0.000000e+00 : f32
    %jit3A_54 = arith.constant 1.333000e+03 : f32
    %max3A = vector.broadcast %jit3A : f32 to vector<1x5120xf32>
    %max3A_55 = arith.maximumf %max3A, %sub3A : vector<1x5120xf32>
    %min3A_56 = vector.broadcast %jit3A_54 : f32 to vector<1x5120xf32>
    %min3A_57 = arith.minimumf %min3A_56, %max3A_55 : vector<1x5120xf32>
    %mul3A_58 = arith.constant 5.000000e-01 : f32
    %mul3A_59 = vector.broadcast %mul3A_58 : f32 to vector<1x5120xf32>
    %mul3A_60 = arith.mulf %mul3A_59, %mul3A_50 : vector<1x5120xf32>
    %sub3A_61 = arith.subf %add3A_41, %mul3A_60 : vector<1x5120xf32>
    %jit3A_62 = arith.constant 0.000000e+00 : f32
    %jit3A_63 = arith.constant 8.000000e+02 : f32
    %max3A_64 = vector.broadcast %jit3A_62 : f32 to vector<1x5120xf32>
    %max3A_65 = arith.maximumf %max3A_64, %sub3A_61 : vector<1x5120xf32>
    %min3A_66 = vector.broadcast %jit3A_63 : f32 to vector<1x5120xf32>
    %min3A_67 = arith.minimumf %min3A_66, %max3A_65 : vector<1x5120xf32>
    %mul3A_68 = arith.constant 5.000000e-01 : f32
    %mul3A_69 = vector.broadcast %mul3A_68 : f32 to vector<1x5120xf32>
    %mul3A_70 = arith.mulf %mul3A_69, %mul3A_45 : vector<1x5120xf32>
    %add3A_71 = arith.addf %add3A, %mul3A_70 : vector<1x5120xf32>
    %jit3A_72 = arith.constant 0.000000e+00 : f32
    %jit3A_73 = arith.constant 1.333000e+03 : f32
    %max3A_74 = vector.broadcast %jit3A_72 : f32 to vector<1x5120xf32>
    %max3A_75 = arith.maximumf %max3A_74, %add3A_71 : vector<1x5120xf32>
    %min3A_76 = vector.broadcast %jit3A_73 : f32 to vector<1x5120xf32>
    %min3A_77 = arith.minimumf %min3A_76, %max3A_75 : vector<1x5120xf32>
    %mul3A_78 = arith.constant 5.000000e-01 : f32
    %mul3A_79 = vector.broadcast %mul3A_78 : f32 to vector<1x5120xf32>
    %mul3A_80 = arith.mulf %mul3A_79, %mul3A_50 : vector<1x5120xf32>
    %add3A_81 = arith.addf %add3A_41, %mul3A_80 : vector<1x5120xf32>
    %jit3A_82 = arith.constant 0.000000e+00 : f32
    %jit3A_83 = arith.constant 8.000000e+02 : f32
    %max3A_84 = vector.broadcast %jit3A_82 : f32 to vector<1x5120xf32>
    %max3A_85 = arith.maximumf %max3A_84, %add3A_81 : vector<1x5120xf32>
    %min3A_86 = vector.broadcast %jit3A_83 : f32 to vector<1x5120xf32>
    %min3A_87 = arith.minimumf %min3A_86, %max3A_85 : vector<1x5120xf32>
    %sub3A_88 = arith.subf %min3A_77, %min3A_57 : vector<1x5120xf32>
    %gt3A = arith.constant 0.000000e+00 : f32
    %gt3A_89 = vector.broadcast %gt3A : f32 to vector<1x5120xf32>
    %gt3A_90 = arith.cmpf ogt, %sub3A_88, %gt3A_89 : vector<1x5120xf32>
    %sub3A_91 = arith.subf %min3A_87, %min3A_67 : vector<1x5120xf32>
    %gt3A_92 = arith.constant 0.000000e+00 : f32
    %gt3A_93 = vector.broadcast %gt3A_92 : f32 to vector<1x5120xf32>
    %gt3A_94 = arith.cmpf ogt, %sub3A_91, %gt3A_93 : vector<1x5120xf32>
    %and3A = arith.andi %gt3A_90, %gt3A_94 : vector<1x5120xi1>
    %get3A_95 = arith.constant 0 : index
    %get3A_96 = arith.constant 0 : index
    %get3A_97 = vector.load %arg8[%get3A_95, %get3A_96] : memref<1x5120xf32, #tpu.memory_space<vmem>>, vector<1x5120xf32>
    %gt3A_98 = arith.constant 5.000000e-02 : f32
    %gt3A_99 = vector.broadcast %gt3A_98 : f32 to vector<1x5120xf32>
    %gt3A_100 = arith.cmpf ogt, %get3A_97, %gt3A_99 : vector<1x5120xf32>
    %and3A_101 = arith.andi %and3A, %gt3A_100 : vector<1x5120xi1>
    %get3A_102 = arith.constant 0 : index
    %get3A_103 = arith.constant 0 : index
    %get3A_104 = vector.load %arg9[%get3A_102, %get3A_103] : memref<1x5120xf32, #tpu.memory_space<vmem>>, vector<1x5120xf32>
    %mul3A_105 = arith.constant 1.334000e+03 : f32
    %mul3A_106 = vector.broadcast %mul3A_105 : f32 to vector<1x5120xf32>
    %mul3A_107 = arith.mulf %get3A_104, %mul3A_106 : vector<1x5120xf32>
    %add3A_108 = arith.addf %min3A_57, %mul3A_107 : vector<1x5120xf32>
    %jit3A_109 = arith.constant 2.000000e+09 : f32
    %broadcast_in_dim3A = vector.broadcast %jit3A_109 : f32 to vector<1x5120xf32>
    %select_n3A = arith.select %and3A_101, %add3A_108, %broadcast_in_dim3A : vector<1x5120xi1>, vector<1x5120xf32>
    %add3A_110 = arith.addf %min3A_67, %mul3A_107 : vector<1x5120xf32>
    %jit3A_111 = arith.constant 2.000000e+09 : f32
    %broadcast_in_dim3A_112 = vector.broadcast %jit3A_111 : f32 to vector<1x5120xf32>
    %select_n3A_113 = arith.select %and3A_101, %add3A_110, %broadcast_in_dim3A_112 : vector<1x5120xi1>, vector<1x5120xf32>
    %add3A_114 = arith.addf %min3A_77, %mul3A_107 : vector<1x5120xf32>
    %jit3A_115 = arith.constant 2.000000e+09 : f32
    %broadcast_in_dim3A_116 = vector.broadcast %jit3A_115 : f32 to vector<1x5120xf32>
    %select_n3A_117 = arith.select %and3A_101, %add3A_114, %broadcast_in_dim3A_116 : vector<1x5120xi1>, vector<1x5120xf32>
    %add3A_118 = arith.addf %min3A_87, %mul3A_107 : vector<1x5120xf32>
    %jit3A_119 = arith.constant 2.000000e+09 : f32
    %broadcast_in_dim3A_120 = vector.broadcast %jit3A_119 : f32 to vector<1x5120xf32>
    %select_n3A_121 = arith.select %and3A_101, %add3A_118, %broadcast_in_dim3A_120 : vector<1x5120xi1>, vector<1x5120xf32>
    %swap3A = arith.constant 0 : index
    %swap3A_122 = arith.constant 0 : index
    %swap3A_123 = vector.load %arg10[%swap3A, %swap3A_122] : memref<1x5120xf32, #tpu.memory_space<vmem>>, vector<1x5120xf32>
    tpu.vector_store %arg10[%swap3A, %swap3A_122], %min3A_57 {strides = array<i32>} : memref<1x5120xf32, #tpu.memory_space<vmem>>, vector<1x5120xf32>,
    %swap3A_124 = arith.constant 0 : index
    %swap3A_125 = arith.constant 0 : index
    %swap3A_126 = vector.load %arg11[%swap3A_124, %swap3A_125] : memref<1x5120xf32, #tpu.memory_space<vmem>>, vector<1x5120xf32>
    tpu.vector_store %arg11[%swap3A_124, %swap3A_125], %min3A_67 {strides = array<i32>} : memref<1x5120xf32, #tpu.memory_space<vmem>>, vector<1x5120xf32>,
    %swap3A_127 = arith.constant 0 : index
    %swap3A_128 = arith.constant 0 : index
    %swap3A_129 = vector.load %arg12[%swap3A_127, %swap3A_128] : memref<1x5120xf32, #tpu.memory_space<vmem>>, vector<1x5120xf32>
    tpu.vector_store %arg12[%swap3A_127, %swap3A_128], %min3A_77 {strides = array<i32>} : memref<1x5120xf32, #tpu.memory_space<vmem>>, vector<1x5120xf32>,
    %swap3A_130 = arith.constant 0 : index
    %swap3A_131 = arith.constant 0 : index
    %swap3A_132 = vector.load %arg13[%swap3A_130, %swap3A_131] : memref<1x5120xf32, #tpu.memory_space<vmem>>, vector<1x5120xf32>
    tpu.vector_store %arg13[%swap3A_130, %swap3A_131], %min3A_87 {strides = array<i32>} : memref<1x5120xf32, #tpu.memory_space<vmem>>, vector<1x5120xf32>,
    %swap3A_133 = arith.constant 0 : index
    %swap3A_134 = arith.constant 0 : index
    %swap3A_135 = vector.load %arg14[%swap3A_133, %swap3A_134] : memref<1x5120xf32, #tpu.memory_space<vmem>>, vector<1x5120xf32>
    tpu.vector_store %arg14[%swap3A_133, %swap3A_134], %select_n3A {strides = array<i32>} : memref<1x5120xf32, #tpu.memory_space<vmem>>, vector<1x5120xf32>,
    %swap3A_136 = arith.constant 0 : index
    %swap3A_137 = arith.constant 0 : index
    %swap3A_138 = vector.load %arg15[%swap3A_136, %swap3A_137] : memref<1x5120xf32, #tpu.memory_space<vmem>>, vector<1x5120xf32>
    tpu.vector_store %arg15[%swap3A_136, %swap3A_137], %select_n3A_113 {strides = array<i32>} : memref<1x5120xf32, #tpu.memory_space<vmem>>, vector<1x5120xf32>,
    %swap3A_139 = arith.constant 0 : index
    %swap3A_140 = arith.constant 0 : index
    %swap3A_141 = vector.load %arg16[%swap3A_139, %swap3A_140] : memref<1x5120xf32, #tpu.memory_space<vmem>>, vector<1x5120xf32>
    tpu.vector_store %arg16[%swap3A_139, %swap3A_140], %select_n3A_117 {strides = array<i32>} : memref<1x5120xf32, #tpu.memory_space<vmem>>, vector<1x5120xf32>,
    %swap3A_142 = arith.constant 0 : index
    %swap3A_143 = arith.constant 0 : index
    %swap3A_144 = vector.load %arg17[%swap3A_142, %swap3A_143] : memref<1x5120xf32, #tpu.memory_space<vmem>>, vector<1x5120xf32>
    tpu.vector_store %arg17[%swap3A_142, %swap3A_143], %select_n3A_121 {strides = array<i32>} : memref<1x5120xf32, #tpu.memory_space<vmem>>, vector<1x5120xf32>,
    %sub3A_145 = arith.subf %select_n3A_117, %select_n3A : vector<1x5120xf32>
    %sub3A_146 = arith.subf %select_n3A_121, %select_n3A_113 : vector<1x5120xf32>
    %mul3A_147 = arith.mulf %sub3A_145, %sub3A_146 : vector<1x5120xf32>
    %swap3A_148 = arith.constant 0 : index
    %swap3A_149 = arith.constant 0 : index
    %swap3A_150 = vector.load %arg18[%swap3A_148, %swap3A_149] : memref<1x5120xf32, #tpu.memory_space<vmem>>, vector<1x5120xf32>
    tpu.vector_store %arg18[%swap3A_148, %swap3A_149], %mul3A_147 {strides = array<i32>} : memref<1x5120xf32, #tpu.memory_space<vmem>>, vector<1x5120xf32>,
    %convert_element_type3A = arith.extui %and3A_101 : vector<1x5120xi1> to vector<1x5120xi32>
    %convert_element_type3A_151 = arith.sitofp %convert_element_type3A : vector<1x5120xi32> to vector<1x5120xf32>
    %swap3A_152 = arith.constant 0 : index
    %swap3A_153 = arith.constant 0 : index
    %swap3A_154 = vector.load %arg19[%swap3A_152, %swap3A_153] : memref<1x5120xf32, #tpu.memory_space<vmem>>, vector<1x5120xf32>
    tpu.vector_store %arg19[%swap3A_152, %swap3A_153], %convert_element_type3A_151 {strides = array<i32>} : memref<1x5120xf32, #tpu.memory_space<vmem>>, vector<1x5120xf32>,
    return
  }
}

module attributes {stable_mosaic.version = 14 : i64} {
  func.func @_sup_kernel(%arg0: i32, %arg1: i32, %arg2: memref<1024x1xf32, #tpu.memory_space<vmem>>, %arg3: memref<1024x1xf32, #tpu.memory_space<vmem>>, %arg4: memref<1024x1xf32, #tpu.memory_space<vmem>>, %arg5: memref<1024x1xf32, #tpu.memory_space<vmem>>, %arg6: memref<1024x1xf32, #tpu.memory_space<vmem>>, %arg7: memref<1024x1xf32, #tpu.memory_space<vmem>>, %arg8: memref<1024x1xf32, #tpu.memory_space<vmem>>, %arg9: memref<1x1024xf32, #tpu.memory_space<vmem>>, %arg10: memref<1x1024xf32, #tpu.memory_space<vmem>>, %arg11: memref<1x1024xf32, #tpu.memory_space<vmem>>, %arg12: memref<1x1024xf32, #tpu.memory_space<vmem>>, %arg13: memref<1x1024xf32, #tpu.memory_space<vmem>>, %arg14: memref<1x1024xf32, #tpu.memory_space<vmem>>, %arg15: memref<1x1024xf32, #tpu.memory_space<vmem>>, %arg16: memref<5x1024x1xf32, #tpu.memory_space<vmem>>, %arg17: memref<5x1x1024xf32, #tpu.memory_space<vmem>>, %arg18: memref<5x1024x1xf32, #tpu.memory_space<vmem>>, %arg19: memref<5x1x1024xf32, #tpu.memory_space<vmem>>) attributes {dimension_semantics = [#tpu.dimension_semantics<arbitrary>, #tpu.dimension_semantics<arbitrary>], iteration_bounds = array<i64: 5, 5>, scalar_prefetch = 0 : i64, scratch_operands = 2 : i64, tpu.core_type = #tpu.core_type<tc>, window_params = [{transform_indices = @transform_0, window_bounds = array<i64: 1024, 1>}, {transform_indices = @transform_1, window_bounds = array<i64: 1024, 1>}, {transform_indices = @transform_2, window_bounds = array<i64: 1024, 1>}, {transform_indices = @transform_3, window_bounds = array<i64: 1024, 1>}, {transform_indices = @transform_4, window_bounds = array<i64: 1024, 1>}, {transform_indices = @transform_5, window_bounds = array<i64: 1024, 1>}, {transform_indices = @transform_6, window_bounds = array<i64: 1024, 1>}, {transform_indices = @transform_7, window_bounds = array<i64: 1, 1024>}, {transform_indices = @transform_8, window_bounds = array<i64: 1, 1024>}, {transform_indices = @transform_9, window_bounds = array<i64: 1, 1024>}, {transform_indices = @transform_10, window_bounds = array<i64: 1, 1024>}, {transform_indices = @transform_11, window_bounds = array<i64: 1, 1024>}, {transform_indices = @transform_12, window_bounds = array<i64: 1, 1024>}, {transform_indices = @transform_13, window_bounds = array<i64: 1, 1024>}, {pipeline_mode = #tpu.pipeline_mode<synchronous>, transform_indices = @transform_14, window_bounds = array<i64: 5, 1024, 1>}, {pipeline_mode = #tpu.pipeline_mode<synchronous>, transform_indices = @transform_15, window_bounds = array<i64: 5, 1, 1024>}]} {
    %eq3A = arith.constant 0 : i32
    %eq3A_0 = arith.cmpi eq, %arg0, %eq3A : i32
    %eq3A_1 = arith.constant 0 : i32
    %eq3A_2 = arith.cmpi eq, %arg1, %eq3A_1 : i32
    %and3A = arith.andi %eq3A_0, %eq3A_2 : i1
    %convert_element_type3A = arith.extui %and3A : i1 to i32
    %cond3A = arith.constant 0 : i32
    %cond3A_3 = arith.cmpi ne, %convert_element_type3A, %cond3A : i32
    scf.if %cond3A_3 {
      %broadcast_in_dim3A = arith.constant 0.000000e+00 : f32
      %broadcast_in_dim3A_15 = vector.broadcast %broadcast_in_dim3A : f32 to vector<5x1024x1xf32>
      %swap3A = arith.constant 0 : index
      %swap3A_16 = arith.constant 0 : index
      %swap3A_17 = arith.constant 0 : index
      %swap3A_18 = vector.load %arg18[%swap3A, %swap3A_16, %swap3A_17] : memref<5x1024x1xf32, #tpu.memory_space<vmem>>, vector<5x1024x1xf32>
      tpu.vector_store %arg18[%swap3A, %swap3A_16, %swap3A_17], %broadcast_in_dim3A_15 {strides = array<i32>} : memref<5x1024x1xf32, #tpu.memory_space<vmem>>, vector<5x1024x1xf32>,
      %broadcast_in_dim3A_19 = arith.constant 0.000000e+00 : f32
      %broadcast_in_dim3A_20 = vector.broadcast %broadcast_in_dim3A_19 : f32 to vector<5x1x1024xf32>
      %swap3A_21 = arith.constant 0 : index
      %swap3A_22 = arith.constant 0 : index
      %swap3A_23 = arith.constant 0 : index
      %swap3A_24 = vector.load %arg19[%swap3A_21, %swap3A_22, %swap3A_23] : memref<5x1x1024xf32, #tpu.memory_space<vmem>>, vector<5x1x1024xf32>
      tpu.vector_store %arg19[%swap3A_21, %swap3A_22, %swap3A_23], %broadcast_in_dim3A_20 {strides = array<i32>} : memref<5x1x1024xf32, #tpu.memory_space<vmem>>, vector<5x1x1024xf32>,
    } else {
    }
    %ge3A = arith.cmpi sge, %arg1, %arg0 : i32
    %convert_element_type3A_4 = arith.extui %ge3A : i1 to i32
    %cond3A_5 = arith.constant 0 : i32
    %cond3A_6 = arith.cmpi ne, %convert_element_type3A_4, %cond3A_5 : i32
    scf.if %cond3A_6 {
      %get3A = arith.constant 0 : index
      %get3A_15 = arith.constant 0 : index
      %get3A_16 = vector.load %arg2[%get3A, %get3A_15] : memref<1024x1xf32, #tpu.memory_space<vmem>>, vector<1024x1xf32>
      %get3A_17 = arith.constant 0 : index
      %get3A_18 = arith.constant 0 : index
      %get3A_19 = vector.load %arg9[%get3A_17, %get3A_18] : memref<1x1024xf32, #tpu.memory_space<vmem>>, vector<1x1024xf32>
      %max3A = vector.broadcast %get3A_16 : vector<1024x1xf32> to vector<1024x1024xf32>
      %max3A_20 = vector.broadcast %get3A_19 : vector<1x1024xf32> to vector<1024x1024xf32>
      %max3A_21 = arith.maximumf %max3A, %max3A_20 : vector<1024x1024xf32>
      %get3A_22 = arith.constant 0 : index
      %get3A_23 = arith.constant 0 : index
      %get3A_24 = vector.load %arg3[%get3A_22, %get3A_23] : memref<1024x1xf32, #tpu.memory_space<vmem>>, vector<1024x1xf32>
      %get3A_25 = arith.constant 0 : index
      %get3A_26 = arith.constant 0 : index
      %get3A_27 = vector.load %arg10[%get3A_25, %get3A_26] : memref<1x1024xf32, #tpu.memory_space<vmem>>, vector<1x1024xf32>
      %max3A_28 = vector.broadcast %get3A_24 : vector<1024x1xf32> to vector<1024x1024xf32>
      %max3A_29 = vector.broadcast %get3A_27 : vector<1x1024xf32> to vector<1024x1024xf32>
      %max3A_30 = arith.maximumf %max3A_28, %max3A_29 : vector<1024x1024xf32>
      %get3A_31 = arith.constant 0 : index
      %get3A_32 = arith.constant 0 : index
      %get3A_33 = vector.load %arg4[%get3A_31, %get3A_32] : memref<1024x1xf32, #tpu.memory_space<vmem>>, vector<1024x1xf32>
      %get3A_34 = arith.constant 0 : index
      %get3A_35 = arith.constant 0 : index
      %get3A_36 = vector.load %arg11[%get3A_34, %get3A_35] : memref<1x1024xf32, #tpu.memory_space<vmem>>, vector<1x1024xf32>
      %min3A = vector.broadcast %get3A_33 : vector<1024x1xf32> to vector<1024x1024xf32>
      %min3A_37 = vector.broadcast %get3A_36 : vector<1x1024xf32> to vector<1024x1024xf32>
      %min3A_38 = arith.minimumf %min3A, %min3A_37 : vector<1024x1024xf32>
      %get3A_39 = arith.constant 0 : index
      %get3A_40 = arith.constant 0 : index
      %get3A_41 = vector.load %arg5[%get3A_39, %get3A_40] : memref<1024x1xf32, #tpu.memory_space<vmem>>, vector<1024x1xf32>
      %get3A_42 = arith.constant 0 : index
      %get3A_43 = arith.constant 0 : index
      %get3A_44 = vector.load %arg12[%get3A_42, %get3A_43] : memref<1x1024xf32, #tpu.memory_space<vmem>>, vector<1x1024xf32>
      %min3A_45 = vector.broadcast %get3A_41 : vector<1024x1xf32> to vector<1024x1024xf32>
      %min3A_46 = vector.broadcast %get3A_44 : vector<1x1024xf32> to vector<1024x1024xf32>
      %min3A_47 = arith.minimumf %min3A_45, %min3A_46 : vector<1024x1024xf32>
      %sub3A = arith.subf %min3A_38, %max3A_21 : vector<1024x1024xf32>
      %max3A_48 = arith.constant 0.000000e+00 : f32
      %max3A_49 = vector.broadcast %max3A_48 : f32 to vector<1024x1024xf32>
      %max3A_50 = arith.maximumf %sub3A, %max3A_49 : vector<1024x1024xf32>
      %sub3A_51 = arith.subf %min3A_47, %max3A_30 : vector<1024x1024xf32>
      %max3A_52 = arith.constant 0.000000e+00 : f32
      %max3A_53 = vector.broadcast %max3A_52 : f32 to vector<1024x1024xf32>
      %max3A_54 = arith.maximumf %sub3A_51, %max3A_53 : vector<1024x1024xf32>
      %mul3A = arith.mulf %max3A_50, %max3A_54 : vector<1024x1024xf32>
      %get3A_55 = arith.constant 0 : index
      %get3A_56 = arith.constant 0 : index
      %get3A_57 = vector.load %arg6[%get3A_55, %get3A_56] : memref<1024x1xf32, #tpu.memory_space<vmem>>, vector<1024x1xf32>
      %get3A_58 = arith.constant 0 : index
      %get3A_59 = arith.constant 0 : index
      %get3A_60 = vector.load %arg13[%get3A_58, %get3A_59] : memref<1x1024xf32, #tpu.memory_space<vmem>>, vector<1x1024xf32>
      %add3A = vector.broadcast %get3A_57 : vector<1024x1xf32> to vector<1024x1024xf32>
      %add3A_61 = vector.broadcast %get3A_60 : vector<1x1024xf32> to vector<1024x1024xf32>
      %add3A_62 = arith.addf %add3A, %add3A_61 : vector<1024x1024xf32>
      %sub3A_63 = arith.subf %add3A_62, %mul3A : vector<1024x1024xf32>
      %add3A_64 = arith.constant 9.99999971E-10 : f32
      %add3A_65 = vector.broadcast %add3A_64 : f32 to vector<1024x1024xf32>
      %add3A_66 = arith.addf %sub3A_63, %add3A_65 : vector<1024x1024xf32>
      %div3A = arith.divf %mul3A, %add3A_66 : vector<1024x1024xf32>
      %gt3A = arith.constant 5.000000e-01 : f32
      %gt3A_67 = vector.broadcast %gt3A : f32 to vector<1024x1024xf32>
      %gt3A_68 = arith.cmpf ogt, %div3A, %gt3A_67 : vector<1024x1024xf32>
      %get3A_69 = arith.constant 0 : index
      %get3A_70 = arith.constant 0 : index
      %get3A_71 = vector.load %arg15[%get3A_69, %get3A_70] : memref<1x1024xf32, #tpu.memory_space<vmem>>, vector<1x1024xf32>
      %get3A_72 = arith.constant 0 : index
      %get3A_73 = arith.constant 0 : index
      %get3A_74 = vector.load %arg8[%get3A_72, %get3A_73] : memref<1024x1xf32, #tpu.memory_space<vmem>>, vector<1024x1xf32>
      %eq3A_75 = vector.broadcast %get3A_71 : vector<1x1024xf32> to vector<1024x1024xf32>
      %eq3A_76 = vector.broadcast %get3A_74 : vector<1024x1xf32> to vector<1024x1024xf32>
      %eq3A_77 = arith.cmpf oeq, %eq3A_75, %eq3A_76 : vector<1024x1024xf32>
      %get3A_78 = arith.constant 0 : index
      %get3A_79 = arith.constant 0 : index
      %get3A_80 = vector.load %arg14[%get3A_78, %get3A_79] : memref<1x1024xf32, #tpu.memory_space<vmem>>, vector<1x1024xf32>
      %get3A_81 = arith.constant 0 : index
      %get3A_82 = arith.constant 0 : index
      %get3A_83 = vector.load %arg7[%get3A_81, %get3A_82] : memref<1024x1xf32, #tpu.memory_space<vmem>>, vector<1024x1xf32>
      %gt3A_84 = vector.broadcast %get3A_80 : vector<1x1024xf32> to vector<1024x1024xf32>
      %gt3A_85 = vector.broadcast %get3A_83 : vector<1024x1xf32> to vector<1024x1024xf32>
      %gt3A_86 = arith.cmpf ogt, %gt3A_84, %gt3A_85 : vector<1024x1024xf32>
      %get3A_87 = arith.constant 0 : index
      %get3A_88 = arith.constant 0 : index
      %get3A_89 = vector.load %arg14[%get3A_87, %get3A_88] : memref<1x1024xf32, #tpu.memory_space<vmem>>, vector<1x1024xf32>
      %get3A_90 = arith.constant 0 : index
      %get3A_91 = arith.constant 0 : index
      %get3A_92 = vector.load %arg7[%get3A_90, %get3A_91] : memref<1024x1xf32, #tpu.memory_space<vmem>>, vector<1024x1xf32>
      %eq3A_93 = vector.broadcast %get3A_89 : vector<1x1024xf32> to vector<1024x1024xf32>
      %eq3A_94 = vector.broadcast %get3A_92 : vector<1024x1xf32> to vector<1024x1024xf32>
      %eq3A_95 = arith.cmpf oeq, %eq3A_93, %eq3A_94 : vector<1024x1024xf32>
      %get3A_96 = arith.constant 0 : index
      %get3A_97 = arith.constant 0 : index
      %get3A_98 = vector.load %arg15[%get3A_96, %get3A_97] : memref<1x1024xf32, #tpu.memory_space<vmem>>, vector<1x1024xf32>
      %get3A_99 = arith.constant 0 : index
      %get3A_100 = arith.constant 0 : index
      %get3A_101 = vector.load %arg8[%get3A_99, %get3A_100] : memref<1024x1xf32, #tpu.memory_space<vmem>>, vector<1024x1xf32>
      %lt3A = vector.broadcast %get3A_98 : vector<1x1024xf32> to vector<1024x1024xf32>
      %lt3A_102 = vector.broadcast %get3A_101 : vector<1024x1xf32> to vector<1024x1024xf32>
      %lt3A_103 = arith.cmpf olt, %lt3A, %lt3A_102 : vector<1024x1024xf32>
      %and3A_104 = arith.andi %eq3A_95, %lt3A_103 : vector<1024x1024xi1>
      %or3A = arith.ori %gt3A_86, %and3A_104 : vector<1024x1024xi1>
      %or3A_105 = arith.ori %or3A, %eq3A_77 : vector<1024x1024xi1>
      %not3A = arith.constant dense<true> : vector<1024x1024xi1>
      %not3A_106 = arith.xori %or3A_105, %not3A : vector<1024x1024xi1>
      %and3A_107 = arith.andi %gt3A_68, %or3A : vector<1024x1024xi1>
      %reduce_or3A = arith.constant 1.000000e+00 : f32
      %reduce_or3A_108 = arith.constant 0.000000e+00 : f32
      %reduce_or3A_109 = vector.broadcast %reduce_or3A : f32 to vector<1024x1024xf32>
      %reduce_or3A_110 = vector.broadcast %reduce_or3A_108 : f32 to vector<1024x1024xf32>
      %reduce_or3A_111 = arith.select %and3A_107, %reduce_or3A_109, %reduce_or3A_110 : vector<1024x1024xi1>, vector<1024x1024xf32>
      %reduce_or3A_112 = arith.constant dense<0xFF800000> : vector<1024xf32>
      %reduce_or3A_113 = vector.multi_reduction <maximumf>, %reduce_or3A_111, %reduce_or3A_112 [1] : vector<1024x1024xf32> to vector<1024xf32>
      %reduce_or3A_114 = arith.constant 0.000000e+00 : f32
      %reduce_or3A_115 = vector.broadcast %reduce_or3A_114 : f32 to vector<1024xf32>
      %reduce_or3A_116 = arith.cmpf ogt, %reduce_or3A_113, %reduce_or3A_115 : vector<1024xf32>
      %broadcast_in_dim3A = vector.shape_cast %reduce_or3A_116 : vector<1024xi1> to vector<1024x1xi1>
      %convert_element_type3A_117 = arith.extui %broadcast_in_dim3A : vector<1024x1xi1> to vector<1024x1xi32>
      %convert_element_type3A_118 = arith.sitofp %convert_element_type3A_117 : vector<1024x1xi32> to vector<1024x1xf32>
      %and3A_119 = arith.andi %gt3A_68, %not3A_106 : vector<1024x1024xi1>
      %reduce_or3A_120 = arith.constant 1.000000e+00 : f32
      %reduce_or3A_121 = arith.constant 0.000000e+00 : f32
      %reduce_or3A_122 = vector.broadcast %reduce_or3A_120 : f32 to vector<1024x1024xf32>
      %reduce_or3A_123 = vector.broadcast %reduce_or3A_121 : f32 to vector<1024x1024xf32>
      %reduce_or3A_124 = arith.select %and3A_119, %reduce_or3A_122, %reduce_or3A_123 : vector<1024x1024xi1>, vector<1024x1024xf32>
      %reduce_or3A_125 = arith.constant dense<0xFF800000> : vector<1024xf32>
      %reduce_or3A_126 = vector.multi_reduction <maximumf>, %reduce_or3A_124, %reduce_or3A_125 [0] : vector<1024x1024xf32> to vector<1024xf32>
      %reduce_or3A_127 = arith.constant 0.000000e+00 : f32
      %reduce_or3A_128 = vector.broadcast %reduce_or3A_127 : f32 to vector<1024xf32>
      %reduce_or3A_129 = arith.cmpf ogt, %reduce_or3A_126, %reduce_or3A_128 : vector<1024xf32>
      %broadcast_in_dim3A_130 = vector.shape_cast %reduce_or3A_129 : vector<1024xi1> to vector<1x1024xi1>
      %convert_element_type3A_131 = arith.extui %broadcast_in_dim3A_130 : vector<1x1024xi1> to vector<1x1024xi32>
      %convert_element_type3A_132 = arith.sitofp %convert_element_type3A_131 : vector<1x1024xi32> to vector<1x1024xf32>
      %get3A_133 = arith.index_cast %arg0 : i32 to index
      %get3A_134 = arith.constant 0 : index
      %get3A_135 = arith.constant 0 : index
      %get3A_136 = vector.load %arg18[%get3A_133, %get3A_134, %get3A_135] : memref<5x1024x1xf32, #tpu.memory_space<vmem>>, vector<1x1024x1xf32>
      %reshape3A = vector.shape_cast %convert_element_type3A_118 : vector<1024x1xf32> to vector<1x1024x1xf32>
      %max3A_137 = arith.maximumf %get3A_136, %reshape3A : vector<1x1024x1xf32>
      %swap3A = arith.index_cast %arg0 : i32 to index
      %swap3A_138 = arith.constant 0 : index
      %swap3A_139 = arith.constant 0 : index
      %swap3A_140 = vector.load %arg18[%swap3A, %swap3A_138, %swap3A_139] : memref<5x1024x1xf32, #tpu.memory_space<vmem>>, vector<1x1024x1xf32>
      tpu.vector_store %arg18[%swap3A, %swap3A_138, %swap3A_139], %max3A_137 {strides = array<i32>} : memref<5x1024x1xf32, #tpu.memory_space<vmem>>, vector<1x1024x1xf32>,
      %get3A_141 = arith.index_cast %arg1 : i32 to index
      %get3A_142 = arith.constant 0 : index
      %get3A_143 = arith.constant 0 : index
      %get3A_144 = vector.load %arg19[%get3A_141, %get3A_142, %get3A_143] : memref<5x1x1024xf32, #tpu.memory_space<vmem>>, vector<1x1x1024xf32>
      %reshape3A_145 = vector.shape_cast %convert_element_type3A_132 : vector<1x1024xf32> to vector<1x1x1024xf32>
      %max3A_146 = arith.maximumf %get3A_144, %reshape3A_145 : vector<1x1x1024xf32>
      %swap3A_147 = arith.index_cast %arg1 : i32 to index
      %swap3A_148 = arith.constant 0 : index
      %swap3A_149 = arith.constant 0 : index
      %swap3A_150 = vector.load %arg19[%swap3A_147, %swap3A_148, %swap3A_149] : memref<5x1x1024xf32, #tpu.memory_space<vmem>>, vector<1x1x1024xf32>
      tpu.vector_store %arg19[%swap3A_147, %swap3A_148, %swap3A_149], %max3A_146 {strides = array<i32>} : memref<5x1x1024xf32, #tpu.memory_space<vmem>>, vector<1x1x1024xf32>,
    } else {
    }
    %eq3A_7 = arith.constant 4 : i32
    %eq3A_8 = arith.cmpi eq, %arg0, %eq3A_7 : i32
    %eq3A_9 = arith.constant 4 : i32
    %eq3A_10 = arith.cmpi eq, %arg1, %eq3A_9 : i32
    %and3A_11 = arith.andi %eq3A_8, %eq3A_10 : i1
    %convert_element_type3A_12 = arith.extui %and3A_11 : i1 to i32
    %cond3A_13 = arith.constant 0 : i32
    %cond3A_14 = arith.cmpi ne, %convert_element_type3A_12, %cond3A_13 : i32
    scf.if %cond3A_14 {
      %get3A = arith.constant 0 : index
      %get3A_15 = arith.constant 0 : index
      %get3A_16 = arith.constant 0 : index
      %get3A_17 = vector.load %arg18[%get3A, %get3A_15, %get3A_16] : memref<5x1024x1xf32, #tpu.memory_space<vmem>>, vector<5x1024x1xf32>
      %swap3A = arith.constant 0 : index
      %swap3A_18 = arith.constant 0 : index
      %swap3A_19 = arith.constant 0 : index
      %swap3A_20 = vector.load %arg16[%swap3A, %swap3A_18, %swap3A_19] : memref<5x1024x1xf32, #tpu.memory_space<vmem>>, vector<5x1024x1xf32>
      tpu.vector_store %arg16[%swap3A, %swap3A_18, %swap3A_19], %get3A_17 {strides = array<i32>} : memref<5x1024x1xf32, #tpu.memory_space<vmem>>, vector<5x1024x1xf32>,
      %get3A_21 = arith.constant 0 : index
      %get3A_22 = arith.constant 0 : index
      %get3A_23 = arith.constant 0 : index
      %get3A_24 = vector.load %arg19[%get3A_21, %get3A_22, %get3A_23] : memref<5x1x1024xf32, #tpu.memory_space<vmem>>, vector<5x1x1024xf32>
      %swap3A_25 = arith.constant 0 : index
      %swap3A_26 = arith.constant 0 : index
      %swap3A_27 = arith.constant 0 : index
      %swap3A_28 = vector.load %arg17[%swap3A_25, %swap3A_26, %swap3A_27] : memref<5x1x1024xf32, #tpu.memory_space<vmem>>, vector<5x1x1024xf32>
      tpu.vector_store %arg17[%swap3A_25, %swap3A_26, %swap3A_27], %get3A_24 {strides = array<i32>} : memref<5x1x1024xf32, #tpu.memory_space<vmem>>, vector<5x1x1024xf32>,
    } else {
    }
    return
  }
  func.func @transform_0(%arg0: i32, %arg1: i32) -> (i32, i32) {
    %c0_i32 = arith.constant 0 : i32
    %c0_i32_0 = arith.constant 0 : i32
    return %arg0, %c0_i32 : i32, i32
  }
  func.func @transform_1(%arg0: i32, %arg1: i32) -> (i32, i32) {
    %c0_i32 = arith.constant 0 : i32
    %c0_i32_0 = arith.constant 0 : i32
    return %arg0, %c0_i32 : i32, i32
  }
  func.func @transform_2(%arg0: i32, %arg1: i32) -> (i32, i32) {
    %c0_i32 = arith.constant 0 : i32
    %c0_i32_0 = arith.constant 0 : i32
    return %arg0, %c0_i32 : i32, i32
  }
  func.func @transform_3(%arg0: i32, %arg1: i32) -> (i32, i32) {
    %c0_i32 = arith.constant 0 : i32
    %c0_i32_0 = arith.constant 0 : i32
    return %arg0, %c0_i32 : i32, i32
  }
  func.func @transform_4(%arg0: i32, %arg1: i32) -> (i32, i32) {
    %c0_i32 = arith.constant 0 : i32
    %c0_i32_0 = arith.constant 0 : i32
    return %arg0, %c0_i32 : i32, i32
  }
  func.func @transform_5(%arg0: i32, %arg1: i32) -> (i32, i32) {
    %c0_i32 = arith.constant 0 : i32
    %c0_i32_0 = arith.constant 0 : i32
    return %arg0, %c0_i32 : i32, i32
  }
  func.func @transform_6(%arg0: i32, %arg1: i32) -> (i32, i32) {
    %c0_i32 = arith.constant 0 : i32
    %c0_i32_0 = arith.constant 0 : i32
    return %arg0, %c0_i32 : i32, i32
  }
  func.func @transform_7(%arg0: i32, %arg1: i32) -> (i32, i32) {
    %max3A = arith.maxsi %arg1, %arg0 : i32
    %c0_i32 = arith.constant 0 : i32
    %c0_i32_0 = arith.constant 0 : i32
    return %c0_i32, %max3A : i32, i32
  }
  func.func @transform_8(%arg0: i32, %arg1: i32) -> (i32, i32) {
    %max3A = arith.maxsi %arg1, %arg0 : i32
    %c0_i32 = arith.constant 0 : i32
    %c0_i32_0 = arith.constant 0 : i32
    return %c0_i32, %max3A : i32, i32
  }
  func.func @transform_9(%arg0: i32, %arg1: i32) -> (i32, i32) {
    %max3A = arith.maxsi %arg1, %arg0 : i32
    %c0_i32 = arith.constant 0 : i32
    %c0_i32_0 = arith.constant 0 : i32
    return %c0_i32, %max3A : i32, i32
  }
  func.func @transform_10(%arg0: i32, %arg1: i32) -> (i32, i32) {
    %max3A = arith.maxsi %arg1, %arg0 : i32
    %c0_i32 = arith.constant 0 : i32
    %c0_i32_0 = arith.constant 0 : i32
    return %c0_i32, %max3A : i32, i32
  }
  func.func @transform_11(%arg0: i32, %arg1: i32) -> (i32, i32) {
    %max3A = arith.maxsi %arg1, %arg0 : i32
    %c0_i32 = arith.constant 0 : i32
    %c0_i32_0 = arith.constant 0 : i32
    return %c0_i32, %max3A : i32, i32
  }
  func.func @transform_12(%arg0: i32, %arg1: i32) -> (i32, i32) {
    %max3A = arith.maxsi %arg1, %arg0 : i32
    %c0_i32 = arith.constant 0 : i32
    %c0_i32_0 = arith.constant 0 : i32
    return %c0_i32, %max3A : i32, i32
  }
  func.func @transform_13(%arg0: i32, %arg1: i32) -> (i32, i32) {
    %max3A = arith.maxsi %arg1, %arg0 : i32
    %c0_i32 = arith.constant 0 : i32
    %c0_i32_0 = arith.constant 0 : i32
    return %c0_i32, %max3A : i32, i32
  }
  func.func @transform_14(%arg0: i32, %arg1: i32) -> (i32, i32, i32) {
    %c0_i32 = arith.constant 0 : i32
    %c0_i32_0 = arith.constant 0 : i32
    %c0_i32_1 = arith.constant 0 : i32
    %c0_i32_2 = arith.constant 0 : i32
    return %c0_i32, %c0_i32_0, %c0_i32_1 : i32, i32, i32
  }
  func.func @transform_15(%arg0: i32, %arg1: i32) -> (i32, i32, i32) {
    %c0_i32 = arith.constant 0 : i32
    %c0_i32_0 = arith.constant 0 : i32
    %c0_i32_1 = arith.constant 0 : i32
    %c0_i32_2 = arith.constant 0 : i32
    return %c0_i32, %c0_i32_0, %c0_i32_1 : i32, i32, i32
  }
}

module attributes {stable_mosaic.version = 14 : i64} {
  func.func @_sel_kernel(%arg0: memref<1x5120xf32, #tpu.memory_space<vmem>>, %arg1: memref<1x5120xf32, #tpu.memory_space<vmem>>, %arg2: memref<1x5120xf32, #tpu.memory_space<vmem>>, %arg3: memref<1x5120xf32, #tpu.memory_space<vmem>>, %arg4: memref<1x5120xf32, #tpu.memory_space<vmem>>, %arg5: memref<104x1xf32, #tpu.memory_space<vmem>>) attributes {dimension_semantics = [], scalar_prefetch = 0 : i64, scratch_operands = 0 : i64, tpu.core_type = #tpu.core_type<tc>} {
    %get3A = arith.constant 0 : index
    %get3A_0 = arith.constant 0 : index
    %get3A_1 = vector.load %arg1[%get3A, %get3A_0] : memref<1x5120xf32, #tpu.memory_space<vmem>>, vector<1x5120xf32>
    %gt3A = arith.constant 5.000000e-01 : f32
    %gt3A_2 = vector.broadcast %gt3A : f32 to vector<1x5120xf32>
    %gt3A_3 = arith.cmpf ogt, %get3A_1, %gt3A_2 : vector<1x5120xf32>
    %get3A_4 = arith.constant 0 : index
    %get3A_5 = arith.constant 0 : index
    %get3A_6 = vector.load %arg2[%get3A_4, %get3A_5] : memref<1x5120xf32, #tpu.memory_space<vmem>>, vector<1x5120xf32>
    %get3A_7 = arith.constant 0 : index
    %get3A_8 = arith.constant 0 : index
    %get3A_9 = vector.load %arg3[%get3A_7, %get3A_8] : memref<1x5120xf32, #tpu.memory_space<vmem>>, vector<1x5120xf32>
    %add3A = arith.addf %get3A_6, %get3A_9 : vector<1x5120xf32>
    %gt3A_10 = arith.constant 5.000000e-01 : f32
    %gt3A_11 = vector.broadcast %gt3A_10 : f32 to vector<1x5120xf32>
    %gt3A_12 = arith.cmpf ogt, %add3A, %gt3A_11 : vector<1x5120xf32>
    %get3A_13 = arith.constant 0 : index
    %get3A_14 = arith.constant 0 : index
    %get3A_15 = vector.load %arg0[%get3A_13, %get3A_14] : memref<1x5120xf32, #tpu.memory_space<vmem>>, vector<1x5120xf32>
    %get3A_16 = arith.constant 0 : index
    %get3A_17 = arith.constant 0 : index
    %get3A_18 = vector.load %arg4[%get3A_16, %get3A_17] : memref<1x5120xf32, #tpu.memory_space<vmem>>, vector<1x5120xf32>
    %lt3A = arith.constant 5.000000e+03 : f32
    %lt3A_19 = vector.broadcast %lt3A : f32 to vector<1x5120xf32>
    %lt3A_20 = arith.cmpf olt, %get3A_18, %lt3A_19 : vector<1x5120xf32>
    %not3A = arith.constant dense<true> : vector<1x5120xi1>
    %not3A_21 = arith.xori %gt3A_12, %not3A : vector<1x5120xi1>
    %and3A = arith.andi %gt3A_3, %not3A_21 : vector<1x5120xi1>
    %sub3A = arith.constant 2.000000e+00 : f32
    %sub3A_22 = vector.broadcast %sub3A : f32 to vector<1x5120xf32>
    %sub3A_23 = arith.subf %get3A_15, %sub3A_22 : vector<1x5120xf32>
    %jit3A = arith.constant -3.000000e+00 : f32
    %broadcast_in_dim3A = vector.broadcast %jit3A : f32 to vector<1x5120xf32>
    %select_n3A = arith.select %gt3A_3, %sub3A_23, %broadcast_in_dim3A : vector<1x5120xi1>, vector<1x5120xf32>
    %select_n3A_24 = arith.select %and3A, %get3A_15, %select_n3A : vector<1x5120xi1>, vector<1x5120xf32>
    %jit3A_25 = arith.constant -4.000000e+00 : f32
    %broadcast_in_dim3A_26 = vector.broadcast %jit3A_25 : f32 to vector<1x5120xf32>
    %select_n3A_27 = arith.select %lt3A_20, %select_n3A_24, %broadcast_in_dim3A_26 : vector<1x5120xi1>, vector<1x5120xf32>
    %scan3A = arith.constant 0 : i32
    %scan3A_28 = arith.constant 100 : i32
    %scan3A_29 = arith.addi %scan3A, %scan3A_28 : i32
    %scan3A_30 = arith.constant 1 : i32
    %scan3A_31 = scf.for %scan3A_37 = %scan3A to %scan3A_29 step %scan3A_30 iter_args(%scan3A_38 = %select_n3A_27) -> (vector<1x5120xf32>)  : i32 {
      %reduce_max3A = vector.shape_cast %scan3A_38 : vector<1x5120xf32> to vector<1x1x5120xf32>
      %reduce_max3A_39 = arith.constant dense<0xFF800000> : vector<1xf32>
      %reduce_max3A_40 = vector.multi_reduction <maximumf>, %reduce_max3A, %reduce_max3A_39 [1, 2] : vector<1x1x5120xf32> to vector<1xf32>
      %reduce_max3A_41 = vector.shape_cast %reduce_max3A_40 : vector<1xf32> to vector<1x1x1xf32>
      %reduce_max3A_42 = vector.extract %reduce_max3A_41[0, 0, 0] : f32 from vector<1x1x1xf32>
      %eq3A = vector.broadcast %reduce_max3A_42 : f32 to vector<1x5120xf32>
      %eq3A_43 = arith.cmpf oeq, %scan3A_38, %eq3A : vector<1x5120xf32>
      %jit3A_44 = arith.constant 5.120000e+03 : f32
      %broadcast_in_dim3A_45 = vector.broadcast %jit3A_44 : f32 to vector<1x5120xf32>
      %select_n3A_46 = arith.select %eq3A_43, %get3A_18, %broadcast_in_dim3A_45 : vector<1x5120xi1>, vector<1x5120xf32>
      %reduce_min3A = vector.shape_cast %select_n3A_46 : vector<1x5120xf32> to vector<1x1x5120xf32>
      %reduce_min3A_47 = arith.constant dense<0x7F800000> : vector<1xf32>
      %reduce_min3A_48 = vector.multi_reduction <minimumf>, %reduce_min3A, %reduce_min3A_47 [1, 2] : vector<1x1x5120xf32> to vector<1xf32>
      %reduce_min3A_49 = vector.shape_cast %reduce_min3A_48 : vector<1xf32> to vector<1x1x1xf32>
      %reduce_min3A_50 = vector.extract %reduce_min3A_49[0, 0, 0] : f32 from vector<1x1x1xf32>
      %reshape3A = vector.broadcast %reduce_min3A_50 : f32 to vector<1x1xf32>
      %swap3A_51 = arith.index_cast %scan3A_37 : i32 to index
      %swap3A_52 = arith.constant 0 : index
      %swap3A_53 = vector.load %arg5[%swap3A_51, %swap3A_52] : memref<104x1xf32, #tpu.memory_space<vmem>>, vector<1x1xf32>
      tpu.vector_store %arg5[%swap3A_51, %swap3A_52], %reshape3A {strides = array<i32>} : memref<104x1xf32, #tpu.memory_space<vmem>>, vector<1x1xf32>,
      %eq3A_54 = vector.broadcast %reduce_min3A_50 : f32 to vector<1x5120xf32>
      %eq3A_55 = arith.cmpf oeq, %get3A_18, %eq3A_54 : vector<1x5120xf32>
      %jit3A_56 = arith.constant -1.000000e+09 : f32
      %broadcast_in_dim3A_57 = vector.broadcast %jit3A_56 : f32 to vector<1x5120xf32>
      %select_n3A_58 = arith.select %eq3A_55, %broadcast_in_dim3A_57, %scan3A_38 : vector<1x5120xi1>, vector<1x5120xf32>
      scf.yield %select_n3A_58 : vector<1x5120xf32>
    }
    %scan3A_32 = arith.constant 100 : i32
    %broadcast_in_dim3A_33 = arith.constant 0.000000e+00 : f32
    %broadcast_in_dim3A_34 = vector.broadcast %broadcast_in_dim3A_33 : f32 to vector<4x1xf32>
    %swap3A = arith.constant 100 : index
    %swap3A_35 = arith.constant 0 : index
    %swap3A_36 = vector.load %arg5[%swap3A, %swap3A_35] : memref<104x1xf32, #tpu.memory_space<vmem>>, vector<4x1xf32>
    tpu.vector_store %arg5[%swap3A, %swap3A_35], %broadcast_in_dim3A_34 {strides = array<i32>} : memref<104x1xf32, #tpu.memory_space<vmem>>, vector<4x1xf32>,
    return
  }
}

</mosaic_0001>

<sc_bundles>
// kernel: kernel.6.cloned.1.call-start
scs
__scs_entry_jumppad:
0x0: {  	(pc) =	sbr.rel $0x88, $3  }
0x1: {  	(tag) =	ssettag $0x0;
	lr =	simm.s32 $0x1  }
0x2: {  	[smem:$0x3F9D] =	sst lr;
	_ =	strace $0xD0000000  }
0x3: {  	_ = 	snop  }
0x4: {  	_ = 	snop  }
0x5: {  	_ = 	snop  }
0x6: {  	_ = 	snop  }
0x7: {  	_ = 	snop  }
__scs_overlays_trampoline_lowered:
0x8: {  	[smem:$0x3FAC] =	sst s0  }
0x9: {  	[smem:$0x3FAD] =	sst s1  }
0xa: {  	[smem:$0x3FAE] =	sst s2  }
0xb: {  	[smem:$0x3FAF] =	sst s3  }
0xc: {  	[smem:$0x3FB0] =	sst s4  }
0xd: {  	[smem:$0x3FB1] =	sst s5  }
0xe: {  	[smem:$0x3FB2] =	sst s6  }
0xf: {  	[smem:$0x3FB3] =	sst s7  }
0x10: {  	[smem:$0x3FB4] =	sst s8  }
0x11: {  	[smem:$0x3FB5] =	sst s9;
	s0 =	simm.s32 @!p0 $0x0  }
0x12: {  	s1 =	sld [smem:$0x3F9B];
	s0 =	simm.s32 @p0 $0x1  }
0x13: {  	[smem:$0x3FB6] =	sst s0;
	s0 =	simm.s32 @!p1 $0x0  }
0x14: {  	s2 =	sld [smem:$0x3F9A];
	s0 =	simm.s32 @p1 $0x1  }
0x15: {  	[smem:$0x3FB7] =	sst s0;
	s0 =	simm.s32 @!p2 $0x0  }
0x16: {  	s3 =	sld [smem:$0x3FDB];
	s0 =	simm.s32 @p2 $0x1  }
0x17: {  	s4 =	simm.s32 $0x1BF5;
	[smem:$0x3FB9] =	sst s0  }
0x18: {  	s0 =	sld [smem:$0x3F9C];
	_ =	swait.ge [sflag:s4], $0x0  }
0x19: {  	s7 =	sld [smem:$0x3F9D]  }
0x1a: {  	s8 =	sadd.s32 $0xFFFFE003, lr  }
0x1b: {  	s9 =	sadd.s32 $0xFFFFFEF7, lr;
	s5 =	simm.s32 $0xFFFFFFFF;
	p2 =	slt.u32 s8, $0xFFFFF086  }
0x1c: {  	p1 =	slt.u32 s9, $0xF7A;
	s5 =	simm.s32 @!p2 $0x0  }
0x1d: {  	s5 =	simm.s32 @p1 $0x1;
	p0 =	seq.s32 s7, s2  }
0x1e: {  	s7 =	smul.u32 @!p0 $0xF7A, s2;
	p2 =	seq.s32 @!p0 s5, $0x0  }
0x1f: {  	s9 =	smul.u32 $0xF7A, s1;
	s8 =	simm.s32 @!p0 $0x1BF5;
	p2 =	por !p2, p0  }
0x20: {  	[sflag:s8] =	ssyncset.s32 @!p0 $0xFFFFF086;
	s6 =	sadd.s32 @!p0 s3, s7;
	s7 =	simm.s32 @!p0 $0x108  }
0x21: {  	s3 =	sadd.s32 s3, s9;
	s6 =	sadd.s32 @!p0 $0x88, s6;
	s7 =	simm.s32 @p2 $0x1082  }
0x22: {  	[simem:s7], [sflag:s8] =	dma.local @!p0 [hbm:s6], $0xF7A  }
0x23: {  	s9 =	sor.u32 $0xD0000000, s2;
	s6 =	simm.s32 $0x108;
	_ =	swait.ge @!p0 [sflag:s8], $0x0  }
0x24: {  	s3 =	sadd.s32 $0x88, s3;
	s6 =	simm.s32 @!p1 $0x1082;
	[sflag:s4] =	ssyncset.s32 $0xFFFFF086  }
0x25: {  	[simem:s6], [sflag:s4] =	dma.local [hbm:s3], $0xF7A  }
0x26: {  	[smem:$0x3F9D] =	sst s1;
	(tag) =	ssettag s2;
	_ =	strace s9  }
0x27: {  	s1 =	sld [smem:$0x3FAD]  }
0x28: {  	s2 =	sld [smem:$0x3FAE]  }
0x29: {  	s4 =	sld [smem:$0x3FB0]  }
0x2a: {  	p0 =	seq.s32 s5, $0x0;
	s5 =	sld [smem:$0x3FB1]  }
0x2b: {  	s6 =	sld [smem:$0x3FB2]  }
0x2c: {  	s7 =	sld [smem:$0x3FB3]  }
0x2d: {  	s3 =	simm.s32 $0x108;
	s8 =	sld [smem:$0x3FB4]  }
0x2e: {  	s3 =	simm.s32 @!p0 $0x1082;
	s9 =	sld [smem:$0x3FB5]  }
0x2f: {  	lr =	sadd.s32 s0, s3;
	s0 =	sld [smem:$0x3FAC]  }
0x30: {  	s3 =	sld [smem:$0x3FAF]  }
0x31: {  	[smem:$0x3FB8] =	sst s10  }
0x32: {  	s10 =	sld [smem:$0x3FB6];
	_ =	sdelay $0x3  }
0x33: {  	p0 =	seq.s32 s10, $0x1;
	s10 =	sld [smem:$0x3FB8];
	_ =	sdelay $0x3  }
0x34: {  	[smem:$0x3FB8] =	sst s10  }
0x35: {  	s10 =	sld [smem:$0x3FB7];
	_ =	sdelay $0x3  }
0x36: {  	p1 =	seq.s32 s10, $0x1;
	s10 =	sld [smem:$0x3FB8];
	_ =	sdelay $0x3  }
0x37: {  	[smem:$0x3FB8] =	sst s10  }
0x38: {  	s10 =	sld [smem:$0x3FB9]  }
0x39: {  	_ = 	snop;
	(pc) =	sbr.ind lr, $3  }
0x3a: {  	_ = 	snop  }
0x3b: {  	_ = 	snop  }
0x3c: {  	p2 =	seq.s32 s10, $0x1;
	s10 =	sld [smem:$0x3FB8]  }
0x3d: {  	_ =	shalt  }
0x3e: {  	_ =	shalt  }
0x3f: {  	_ =	shalt  }
0x40: {  	_ =	shalt  }
0x41: {  	_ =	shalt  }
0x42: {  	_ =	shalt  }
0x43: {  	_ =	shalt  }
0x44: {  	_ =	shalt  }
0x45: {  	_ =	shalt  }
0x46: {  	_ =	shalt  }
0x47: {  	_ =	shalt  }
0x48: {  	_ =	shalt  }
0x49: {  	_ =	shalt  }
0x4a: {  	_ =	shalt  }
0x4b: {  	_ =	shalt  }
0x4c: {  	_ =	shalt  }
0x4d: {  	_ =	shalt  }
0x4e: {  	_ =	shalt  }
0x4f: {  	_ =	shalt  }
0x50: {  	_ =	shalt  }
0x51: {  	_ =	shalt  }
0x52: {  	_ =	shalt  }
0x53: {  	_ =	shalt  }
0x54: {  	_ =	shalt  }
0x55: {  	_ =	shalt  }
0x56: {  	_ =	shalt  }
0x57: {  	_ =	shalt  }
0x58: {  	_ =	shalt  }
0x59: {  	_ =	shalt  }
0x5a: {  	_ =	shalt  }
0x5b: {  	_ =	shalt  }
0x5c: {  	_ =	shalt  }
0x5d: {  	_ =	shalt  }
0x5e: {  	_ =	shalt  }
0x5f: {  	_ =	shalt  }
0x60: {  	_ =	shalt  }
0x61: {  	_ =	shalt  }
0x62: {  	_ =	shalt  }
0x63: {  	_ =	shalt  }
0x64: {  	_ =	shalt  }
0x65: {  	_ =	shalt  }
0x66: {  	_ =	shalt  }
0x67: {  	_ =	shalt  }
0x68: {  	_ =	shalt  }
0x69: {  	_ =	shalt  }
0x6a: {  	_ =	shalt  }
0x6b: {  	_ =	shalt  }
0x6c: {  	_ =	shalt  }
0x6d: {  	_ =	shalt  }
0x6e: {  	_ =	shalt  }
0x6f: {  	_ =	shalt  }
0x70: {  	_ =	shalt  }
0x71: {  	_ =	shalt  }
0x72: {  	_ =	shalt  }
0x73: {  	_ =	shalt  }
0x74: {  	_ =	shalt  }
0x75: {  	_ =	shalt  }
0x76: {  	_ =	shalt  }
0x77: {  	_ =	shalt  }
0x78: {  	_ =	shalt  }
0x79: {  	_ =	shalt  }
0x7a: {  	_ =	shalt  }
0x7b: {  	_ =	shalt  }
0x7c: {  	_ =	shalt  }
0x7d: {  	_ =	shalt  }
0x7e: {  	_ =	shalt  }
0x7f: {  	_ =	shalt  }
0x80: {  	_ =	shalt  }
0x81: {  	_ =	shalt  }
0x82: {  	_ =	shalt  }
0x83: {  	_ =	shalt  }
0x84: {  	_ =	shalt  }
0x85: {  	_ =	shalt  }
0x86: {  	_ =	shalt  }
0x87: {  	_ =	shalt  }
.Lfunc_end0:
.L_simem_size_0:
called_computation_lowered:
.L_overlay_start_0:
0x88: {  	s2 =	sld [smem:$0x3FD9]  }
0x89: {  	s3 =	sld [smem:$0x3FFE];
	_ =	sdelay $0x1  }
0x8a: {  	s1 =	srdreg.scid  }
0x8b: {  	s0 =	sand.u32 $0x1, s1  }
0x8c: {  	s14 =	sshll.u32 s0, $0xA;
	s2 =	sadd.s32 s3, s2  }
0x8d: {  	s2 =	sadd.s32 s2, s14  }
0x8e: {  	[smem:$0x3FC4] =	sst s2  }
0x8f: {  	_ = 	snop  }
0x90: {  	s2 =	sld [smem:$0x3FD0];
	_ =	sdelay $0x2  }
0x91: {  	s15 =	simm.s32 $0xA;
	s4 =	simm.s32 $0x10  }
0x92: {  	[smem:s4], [sflag:s15] =	dma.local [hbm:s2], $0x1  }
0x93: {  	_ =	swait.eq [sflag:s15], $0x1  }
0x94: {  	[sflag:s15] =	ssyncset.done $0x0  }
0x95: {  	[sflag:s15] =	ssyncadd.s32 $0xFFFFFFFF  }
0x96: {  	s16 =	sld [smem:$0x10];
	(tm) =	ssettm $0x1  }
0x97: {  	s17 =	sld [smem:$0x3FFB];
	_ =	sdelay $0x3  }
0x98: {  	_ =	strace s17  }
0x99: {  	s3 =	sld [smem:$0x3FFC];
	_ =	sdelay $0x3  }
0x9a: {  	_ =	strace s3  }
0x9b: {  	s3 =	sld [smem:$0x3FFD];
	_ =	sdelay $0x3  }
0x9c: {  	_ =	strace s3  }
0x9d: {  	_ =	strace $0x8FFFFFFF  }
0x9e: {  	s18 =	sld [smem:$0x3FDB];
	_ =	sdelay $0x1  }
0x9f: {  	s19 =	simm.s32 $_scs_section_size  }
0xa0: {  	s5 =	simm.s32 $_size__tile_overlayer_lowered;
	s6 =	simm.s32 $_tile_overlayer_lowered  }
0xa1: {  	s22 =	simm.s32 $0x1BFF;
	s21 =	sshll.u32 s6, $0x1;
	s3 =	sadd.s32 s19, s18  }
0xa2: {  	s7 =	simm.s32 $0x0;
	s20 =	sshll.u32 s5, $0x1;
	s5 =	sadd.s32 s21, s3  }
0xa3: {  	[timem:s7], [sflag:s22] =	dma.local [hbm:s5], s20  }
0xa4: {  	_ =	swait.ge [sflag:s22], s20  }
0xa5: {  	s4 =	ssub.s32 $0x0, s20;
	[sflag:s22] =	ssyncset.done $0x0  }
0xa6: {  	[sflag:s22] =	ssyncadd.s32 s4;
	_ =	sdelay $0x1  }
0xa7: {  	s23 =	simm.s32 $0x1B8B  }
0xa8: {  	_ =	swait.ge [sflag:s23], $0x1  }
0xa9: {  	[sflag:s23] =	ssyncset.done $0x0  }
0xaa: {  	s25 =	simm.s32 $0x1B8E;
	s24 =	sld [smem:$0x3FFE];
	[sflag:s23] =	ssyncadd.s32 $0xFFFFFFFF  }
0xab: {  	s26 =	simm.s32 $execute0_lowered;
	[smem:$0x3FD2] =	sst s25  }
0xac: {  	s5 =	sshll.u32 s26, $0x1;
	_ =	strace $0x80000046;
	[dreg:$0x1] =	wrdreg $0xFFFFFFFF  }
0xad: {  	s28 =	simm.s32 $_size_execute0_lowered;
	s3 =	sadd.s32 s3, s5;
	[dreg:$0x0] =	wrdreg $0x0  }
0xae: {  	s5 =	sshll.u32 s28, $0x1;
	[dreg:$0x2] =	wrdreg s3  }
0xaf: {  	[dreg:$0x3] =	wrdreg s5  }
0xb0: {  	[dreg:$0x4] =	wrdreg $0xC0  }
0xb1: {  	_ =	task [dreg:s7], $0x5FFFF  }
0xb2: {  	[dreg:$0x1] =	wrdreg $0xFFFFFFFF  }
0xb3: {  	[dreg:$0x0] =	wrdreg $0x60  }
0xb4: {  	[dreg:$0x2] =	wrdreg s24  }
0xb5: {  	[dreg:$0x3] =	wrdreg s16  }
0xb6: {  	[dreg:$0x4] =	wrdreg $0x9  }
0xb7: {  	_ =	task.clear_ibuf [dreg:s7], $0x5FFFF;
	_ =	strace $0x90000046  }
0xb8: {  	s29 =	simm.s32 $0x9;
	_ =	strace $0x80000048  }
0xb9: {  	_ =	swait.ge [sflag:s29], $0x1  }
0xba: {  	[sflag:s29] =	ssyncadd.s32 $0xFFFFFFFF  }
0xbb: {  	_ =	strace $0x90000048  }
0xbc: {  	_ =	sfence  }
0xbd: {  	s30 =	sld [smem:$0x0];
	_ =	sdelay $0x2  }
0xbe: {  	s31 =	sshll.u32 s1, $0xD;
	s1 =	sshrl.u32 s1, $0x2  }
0xbf: {  	s3 =	sand.u32 $0x4000, s31;
	s1 =	sadd.s32 s1, s30  }
0xc0: {  	s0 =	sor.u32 s3, s0;
	s1 =	sshll.u32 s1, $0x11  }
0xc1: {  	s0 =	sor.u32 s1, s0  }
0xc2: {  	s0 =	sadd.s32 $0x8F2B, s0  }
0xc3: {  	[sflag:s0] =	ssyncadd.remote.s32 $0x1  }
0xc4: {  	_ =	sfence.sel $0xFFFF  }
0xc5: {  	[dreg:$0x0] =	wrdreg $0xFFFFFFFF;
	(pc) =	sbr.abs _section_cstart, $3  }
0xc6: {  	[dreg:$0x1] =	wrdreg $0xFFFFFFFF  }
0xc7: {  	_ =	task.clear_ibuf [dreg:s7], $0x2FFFF;
	_ =	strace $0x9FFFFFFF  }
0xc8: {  	(tm) =	ssettm $0x7FFFFFFF  }
0xc9: {  	_ =	shalt  }
tec
execute0_lowered:
.L_overlay_start_1:
0x0: {  	(tag) =	ssettag $0x1  }
0x1: {  	s1 =	srdreg.scid;
	s2 =	rddreg [dreg:$0x0]  }
0x2: {  	s0 =	stileid.u32;
	s4 =	rddreg [dreg:$0x1];
	s6 =	sand.u32 $0x1, s1  }
0x3: {  	s3 =	simm.s32 $0x0;
	s5 =	sshll.u32 s0, $0x4;
	s7 =	sshll.u32 s6, $0x3  }
0x4: {  	[smem:$0x7FF] =	sst s3;
	s9 =	sor.u32 s7, s5  }
0x5: {  	s1 =	rddreg [dreg:$0x2];
	_ =	strace $0x80000047;
	s5 =	sshrl.u32 s9, $0x3  }
0x6: {  	s10 =	ssub.s32 $0x2, s6;
	s5 =	sadd.s32 s4, s5;
	s4 =	simm.s32 $0x2  }
0x7: {  	[tilespmem:s3], [sflag:$0x2] =	stream.linear.gather [hbm4b:s5+s3], $0x8, $0x38;
	[tilespmem:$0x480] =	vst v63  }
0x8: {  	s8 =	simm.s32 $0x1;
	s11 =	sshrl.u32 s10, $0x1;
	_ =	swait.ge [sflag:s4], $0x8  }
0x9: {  	s6 =	simm.s32 $0x8;
	s10 =	ssub.s32 s10, s11;
	[sflag:s4] =	ssyncset.done $0x0  }
0xa: {  	s7 =	simm.s32 $0x80;
	s10 =	smax.u32 s10, $0x1;
	[sflag:s4] =	ssyncadd.s32 $0xFFFFFFF8  }
0xb: {  	[tilespmem:s7], [sflag:$0x1] =	stream.indirect.gather [hbm4b:s2+s6], $0x80, s3, s6, $0xb8;
	[tilespmem:$0x480] =	vst v63  }
0xc: {  	s9 =	sshll.u32 s9, $0x4;
	p0 =	sne.s32 s10, $0x1;
	_ =	swait.ge [sflag:s8], $0x400  }
.Ltmp0:
0xd: {  	s9 =	sadd.s32 s9, s2;
	[sflag:s8] =	ssyncset.done $0x0;
	(pc) =	sbr.rel @!p0 .LBB2_2-.Ltmp0, $4  }
0xe: {  	s9 =	sadd.s32 $0x14000, s9;
	[sflag:s8] =	ssyncadd.s32 $0xFFFFFC00  }
0xf: {  	[hbm4b:s9+s3] =	stream.linear.scatter [tilespmem:s7], [sflag:$0x2], $0x400, $0x38;
	[tilespmem:$0x480] =	vst v63  }
0x10: {  	_ =	swait.ge [sflag:s4], $0x400  }
0x11: {  	s10 =	sadd.s32 $0xFFFFFFFF, s10;
	[sflag:s4] =	ssyncset.done $0x0  }
.LBB2_1:
0x12: {  	p0 =	sne.s32 s10, $0x1;
	s10 =	sadd.s32 $0xFFFFFFFF, s10;
	[sflag:s4] =	ssyncadd.s32 $0xFFFFFC00  }
0x13: {  	[tilespmem:s3], [sflag:$0x2] =	stream.linear.gather [hbm4b:s5+s3], $0x8, $0x38;
	[tilespmem:$0x480] =	vst v63  }
0x14: {  	_ =	swait.ge [sflag:s4], $0x8  }
0x15: {  	[sflag:s4] =	ssyncset.done $0x0  }
0x16: {  	[sflag:s4] =	ssyncadd.s32 $0xFFFFFFF8  }
0x17: {  	[tilespmem:s7], [sflag:$0x1] =	stream.indirect.gather [hbm4b:s2+s6], $0x80, s3, s6, $0xb8;
	[tilespmem:$0x480] =	vst v63  }
0x18: {  	_ =	swait.ge [sflag:s8], $0x400  }
.Ltmp1:
0x19: {  	[sflag:s8] =	ssyncset.done $0x0;
	(pc) =	sbr.rel @p0 .LBB2_1-.Ltmp1, $4  }
0x1a: {  	[sflag:s8] =	ssyncadd.s32 $0xFFFFFC00  }
0x1b: {  	[hbm4b:s9+s3] =	stream.linear.scatter [tilespmem:s7], [sflag:$0x2], $0x400, $0x38;
	[tilespmem:$0x480] =	vst v63  }
0x1c: {  	_ =	swait.ge [sflag:s4], $0x400  }
0x1d: {  	[sflag:s4] =	ssyncset.done $0x0  }
.LBB2_2:
0x1e: {  	[sflag:s4] =	ssyncadd.s32 $0xFFFFFC00  }
0x1f: {  	_ =	sfence.sel $0x180000  }
0x20: {  	[bflag:$0x0] =	sbarrier.arrive $0xFFFF  }
0x21: {  	p0 =	sne.s32 s0, $0x0;
	_ =	strace $0x90000047  }
0x22: {  	s0 =	sadd.s32 @!p0 $0x100000, s1;
	[bflag:$0x2] =	sbarrier.arrive $0xFFFF  }
0x23: {  	[sflag:s0] =	ssyncadd.tile.s32 @!p0 $0x1;
	_ =	shalt  }
.Lfunc_end2:
_tile_overlayer_lowered:
.L_overlay_start_2:
0x24: {  	(tag) =	ssettag $0x2  }
0x25: {  	s0 =	rddreg [dreg:$0x0];
	s2 =	stileid.u32  }
0x26: {  	s1 =	rddreg [dreg:$0x1];
	p0 =	sne.s32 s2, $0x0  }
0x27: {  	s3 =	rddreg [dreg:$0x2];
	[bflag:$0x3] =	sbarrier.arrive $0xFFFF;
	s2 =	simm.s32 @!p0 $0x1C02  }
0x28: {  	[timem:s3], [sflag:s2] =	dma.local @!p0 [hbm:s0], s1  }
0x29: {  	s0 =	simm.s32 @!p0 $0x2  }
0x2a: {  	_ =	swait.ge @!p0 [sflag:s0], s1  }
0x2b: {  	s1 =	ssub.s32 @!p0 $0x0, s1;
	[sflag:s0] =	ssyncset.done @!p0 $0x0  }
0x2c: {  	[sflag:s0] =	ssyncadd.s32 @!p0 s1  }
0x2d: {  	[bflag:$0x3] =	sbarrier.arrive $0xFFFF  }
0x2e: {  	_ =	shalt  }

</sc_bundles>
